<compile_context>
chip_gen: v7x
topology: tpu7x:2x2x1
jax: 0.10.2.dev20260603
libtpu: 0.0.44.dev20260713+nightly
codegen_flags: <defaults>
</compile_context>

<pallas_src>
import functools

import jax
import jax.numpy as jnp
from jax.experimental import pallas as pl
from jax.experimental.pallas import tpu as pltpu


def _softmax(logits):
    m = jnp.max(logits, axis=-1, keepdims=True)
    e = jnp.exp(logits - m)
    return e / jnp.sum(e, axis=-1, keepdims=True)


def _conv_pool_kernel(p_ref, w_ref, q_ref, *, nb, ntile):
    y = jax.lax.dot_general(p_ref[...], w_ref[...],
                            dimension_numbers=(((0,), (0,)), ((), ())),
                            preferred_element_type=jnp.float32)
    y = jnp.maximum(y, 0.0)
    y = y.reshape(4 * nb, 256, ntile).sum(axis=1)
    q_ref[...] = y.reshape(4, nb, ntile)


def _head_kernel(q_ref, wrg_ref, brg_ref, wfr_ref, bfr_ref, wfc_ref, bfo_ref,
                 out_ref, *, cl, e, nout):
    q0, q1, q2, q3 = q_ref[0], q_ref[1], q_ref[2], q_ref[3]
    qs = q0 + q1 + q2 + q3
    rfeat = qs[:, :cl] * (1.0 / 1024.0)
    logits = jnp.dot(rfeat, wrg_ref[...], preferred_element_type=jnp.float32)
    gates = _softmax(logits + brg_ref[...])
    hs = []
    for qd in (q0, q1, q2, q3):
        acc = gates[:, 0:1] * qd[:, cl:2 * cl]
        for ex in range(1, e):
            acc = acc + gates[:, ex:ex + 1] * qd[:, cl * (ex + 1):cl * (ex + 2)]
        hs.append(acc)
    h = jnp.concatenate(hs, axis=1) * (1.0 / 256.0)
    logits2 = jnp.dot(h, wfr_ref[...], preferred_element_type=jnp.float32)
    g2 = _softmax(logits2 + bfr_ref[...])
    z = jnp.dot(h, wfc_ref[...], preferred_element_type=jnp.float32)
    o = g2[:, 0:1] * z[:, 0:nout]
    for ex in range(1, e):
        o = o + g2[:, ex:ex + 1] * z[:, ex * nout:(ex + 1) * nout]
    o = o + jnp.dot(g2, bfo_ref[...], preferred_element_type=jnp.float32)
    out_ref[...] = o


def kernel(x, Wc, bc, Wrc, brc, Wrg, brg, Wf, bf, Wfr, bfr):
    B, Cin, H, W = x.shape
    E, Cl = Wc.shape[0], Wc.shape[1]
    Nout = Wf.shape[2]
    HW = H * W
    NB = 8
    SB = B // NB
    NCOLS = (1 + E) * Cl
    NTILE = 384
    NT = NCOLS // NTILE
    K = Cin * 9 + 1

    Hq, Wq = H // 2, W // 2
    xp = jnp.pad(x, ((0, 0), (0, 0), (1, 1), (1, 1)))
    xqp = jnp.stack([xp[:, :, Hq * qi:Hq * qi + Hq + 2, Wq * qj:Wq * qj + Wq + 2]
                     for qi in range(2) for qj in range(2)], axis=2)
    taps = [xqp[:, ci, :, dy:dy + Hq, dx:dx + Wq]
            for ci in range(Cin) for dy in range(3) for dx in range(3)]
    P = jnp.stack(taps, axis=0)
    P = P.reshape(Cin * 9, SB, NB, 4, Hq * Wq).transpose(0, 1, 3, 2, 4)
    P = P.reshape(Cin * 9, B * HW)
    P = jnp.concatenate([P, jnp.ones((1, B * HW), P.dtype)], axis=0)
    P = P.astype(jnp.bfloat16)

    Wmat = jnp.concatenate([Wrc.reshape(Cl, Cin * 9),
                            Wc.reshape(E * Cl, Cin * 9)], axis=0).T
    brow = jnp.concatenate([brc, bc.reshape(E * Cl)])[None, :]
    Wall = jnp.concatenate([Wmat, brow], axis=0).astype(jnp.bfloat16)

    q = pl.pallas_call(
        functools.partial(_conv_pool_kernel, nb=NB, ntile=NTILE),
        grid=(SB, NT),
        in_specs=[
            pl.BlockSpec((K, NB * HW), lambda sb, nt: (0, sb)),
            pl.BlockSpec((K, NTILE), lambda sb, nt: (0, nt)),
        ],
        out_specs=pl.BlockSpec((4, NB, NTILE), lambda sb, nt: (0, sb, nt)),
        out_shape=jax.ShapeDtypeStruct((4, B, NCOLS), jnp.float32),
    )(P, Wall)

    Wfr_p = Wfr.reshape(Cl, 4, E).transpose(1, 0, 2).reshape(4 * Cl, E)
    Wf_p = Wf.reshape(E, Cl, 4, Nout).transpose(0, 2, 1, 3)
    Wf_cat = Wf_p.reshape(E, 4 * Cl, Nout).transpose(1, 0, 2).reshape(4 * Cl, E * Nout)

    BS = min(128, B)
    out = pl.pallas_call(
        functools.partial(_head_kernel, cl=Cl, e=E, nout=Nout),
        grid=(B // BS,),
        in_specs=[
            pl.BlockSpec((4, BS, NCOLS), lambda b: (0, b, 0)),
            pl.BlockSpec((Cl, E), lambda b: (0, 0)),
            pl.BlockSpec((1, E), lambda b: (0, 0)),
            pl.BlockSpec((4 * Cl, E), lambda b: (0, 0)),
            pl.BlockSpec((1, E), lambda b: (0, 0)),
            pl.BlockSpec((4 * Cl, E * Nout), lambda b: (0, 0)),
            pl.BlockSpec((E, Nout), lambda b: (0, 0)),
        ],
        out_specs=pl.BlockSpec((BS, Nout), lambda b: (b, 0)),
        out_shape=jax.ShapeDtypeStruct((B, Nout), jnp.float32),
    )(q, Wrg, brg.reshape(1, E), Wfr_p, bfr.reshape(1, E), Wf_cat, bf)
    return out

# --- scband reference (transcript-rebuilt; emitter-appended) ---
"""Pipeline reference for scband-moe-long-cifar-56375740727676 (READ-ONLY COPY).

The authoritative reference and input builder live on the scoring server;
editing this copy changes nothing except your own understanding.
"""

import jax, jax.numpy as jnp
import numpy as np


def conv2d(x, w, b):
    y = jax.lax.conv_general_dilated(x, w, window_strides=(1, 1), padding='SAME',
                                     dimension_numbers=('NCHW', 'OIHW', 'NCHW'))
    return y + b[None, :, None, None]


def setup_inputs(seed: int = 0) -> dict:
    key = jax.random.key(seed)
    ks = jax.random.split(key, 8)
    B, Cin, H, W = 512, 3, 32, 32
    E, Cl, Nout = 8, 384, 100
    nfc = Cl * 2 * 2  # CNN2FC: adaptive avg pool to 2x2 then flatten
    x = jax.random.normal(ks[0], (B, Cin, H, W), dtype=jnp.float32)
    # Per-expert vision citizen conv weights (stacked over experts)
    Wc = jax.random.normal(ks[1], (E, Cl, Cin, 3, 3), dtype=jnp.float32) * 0.1
    bc = jnp.zeros((E, Cl), dtype=jnp.float32)
    # Vision router: conv feature extractor + global pool + linear gate
    Wrc = jax.random.normal(ks[2], (Cl, Cin, 3, 3), dtype=jnp.float32) * 0.1
    brc = jnp.zeros((Cl,), dtype=jnp.float32)
    Wrg = jax.random.normal(ks[3], (Cl, E), dtype=jnp.float32) * 0.05
    brg = jnp.zeros((E,), dtype=jnp.float32)
    # Per-expert FC citizen weights
    Wf = jax.random.normal(ks[4], (E, nfc, Nout), dtype=jnp.float32) * 0.02
    bf = jnp.zeros((E, Nout), dtype=jnp.float32)
    # FC router
    Wfr = jax.random.normal(ks[5], (nfc, E), dtype=jnp.float32) * 0.02
    bfr = jnp.zeros((E,), dtype=jnp.float32)
    return {'x': x, 'Wc': Wc, 'bc': bc, 'Wrc': Wrc, 'brc': brc,
            'Wrg': Wrg, 'brg': brg, 'Wf': Wf, 'bf': bf, 'Wfr': Wfr, 'bfr': bfr}


def reference(x, Wc, bc, Wrc, brc, Wrg, brg, Wf, bf, Wfr, bfr):
    E = Wc.shape[0]
    # --- MoE CNN layer ---
    # VisionRouter: conv + relu + global avg pool + linear -> softmax gates
    r = jax.nn.relu(conv2d(x, Wrc, brc))
    r = r.mean(axis=(2, 3))
    gates = jax.nn.softmax(r @ Wrg + brg, axis=-1)  # [B, E]
    # Soft mixture over VisionCitizen experts (conv + relu)
    h = jnp.zeros((x.shape[0], Wc.shape[1], x.shape[2], x.shape[3]), dtype=x.dtype)
    for e in range(E):
        he = jax.nn.relu(conv2d(x, Wc[e], bc[e]))
        h = h + gates[:, e, None, None, None] * he
    # --- CNN2FC: adaptive avg pool to 2x2 + flatten ---
    B, C, H, W = h.shape
    h = h.reshape(B, C, 2, H // 2, 2, W // 2).mean(axis=(3, 5))
    h = h.reshape(B, C * 4)
    # --- MoE FC layer ---
    gates2 = jax.nn.softmax(h @ Wfr + bfr, axis=-1)  # [B, E]
    out = jnp.zeros((B, Wf.shape[2]), dtype=h.dtype)
    for e in range(E):
        out = out + gates2[:, e, None] * (h @ Wf[e] + bf[e])
    return out

if __name__ == "__main__":
    import jax
    _d = setup_inputs()
    print(jax.jit(kernel)(*tuple(_d.values())))

</pallas_src>

<mosaic_0001>
module attributes {stable_mosaic.version = 14 : i64} {
  func.func @_conv_pool_kernel(%arg0: i32, %arg1: i32, %arg2: memref<28x8192xbf16, #tpu.memory_space<vmem>>, %arg3: memref<28x384xbf16, #tpu.memory_space<vmem>>, %arg4: memref<4x8x384xf32, #tpu.memory_space<vmem>>) attributes {dimension_semantics = [#tpu.dimension_semantics<arbitrary>, #tpu.dimension_semantics<arbitrary>], iteration_bounds = array<i64: 64, 9>, scalar_prefetch = 0 : i64, scratch_operands = 0 : i64, tpu.core_type = #tpu.core_type<tc>, window_params = [{transform_indices = @transform_0, window_bounds = array<i64: 28, 8192>}, {transform_indices = @transform_1, window_bounds = array<i64: 28, 384>}, {transform_indices = @transform_2, window_bounds = array<i64: 4, 8, 384>}]} {
    %get3A = arith.constant 0 : index
    %get3A_0 = arith.constant 0 : index
    %get3A_1 = vector.load %arg2[%get3A, %get3A_0] : memref<28x8192xbf16, #tpu.memory_space<vmem>>, vector<28x8192xbf16>
    %get3A_2 = arith.constant 0 : index
    %get3A_3 = arith.constant 0 : index
    %get3A_4 = vector.load %arg3[%get3A_2, %get3A_3] : memref<28x384xbf16, #tpu.memory_space<vmem>>, vector<28x384xbf16>
    %dot_general3A = arith.constant dense<0.000000e+00> : vector<8192x384xf32>
    %dot_general3A_5 = tpu.matmul %get3A_1, %get3A_4, %dot_general3A {dimension_numbers = #tpu.dot_dimension_numbers<[0], [0], [1], [1], [0, 1, 1, 1], [], []>, transpose_lhs_hint = false} : vector<28x8192xbf16>, vector<28x384xbf16>, vector<8192x384xf32> -> vector<8192x384xf32>
    %max3A = arith.constant 0.000000e+00 : f32
    %max3A_6 = vector.broadcast %max3A : f32 to vector<8192x384xf32>
    %max3A_7 = arith.maximumf %dot_general3A_5, %max3A_6 : vector<8192x384xf32>
    %reshape3A = vector.shape_cast %max3A_7 : vector<8192x384xf32> to vector<32x256x384xf32>
    %reduce_sum3A = arith.constant dense<0.000000e+00> : vector<32x384xf32>
    %reduce_sum3A_8 = vector.multi_reduction <add>, %reshape3A, %reduce_sum3A [1] : vector<32x256x384xf32> to vector<32x384xf32>
    %reshape3A_9 = vector.shape_cast %reduce_sum3A_8 : vector<32x384xf32> to vector<4x8x384xf32>
    %swap3A = arith.constant 0 : index
    %swap3A_10 = arith.constant 0 : index
    %swap3A_11 = arith.constant 0 : index
    %swap3A_12 = vector.load %arg4[%swap3A, %swap3A_10, %swap3A_11] : memref<4x8x384xf32, #tpu.memory_space<vmem>>, vector<4x8x384xf32>
    tpu.vector_store %arg4[%swap3A, %swap3A_10, %swap3A_11], %reshape3A_9 {strides = array<i32>} : memref<4x8x384xf32, #tpu.memory_space<vmem>>, vector<4x8x384xf32>,
    return
  }
  func.func @transform_0(%arg0: i32, %arg1: i32) -> (i32, i32) {
    %c0_i32 = arith.constant 0 : i32
    %c0_i32_0 = arith.constant 0 : i32
    return %c0_i32, %arg0 : i32, i32
  }
  func.func @transform_1(%arg0: i32, %arg1: i32) -> (i32, i32) {
    %c0_i32 = arith.constant 0 : i32
    %c0_i32_0 = arith.constant 0 : i32
    return %c0_i32, %arg1 : i32, i32
  }
  func.func @transform_2(%arg0: i32, %arg1: i32) -> (i32, i32, i32) {
    %c0_i32 = arith.constant 0 : i32
    %c0_i32_0 = arith.constant 0 : i32
    return %c0_i32, %arg0, %arg1 : i32, i32, i32
  }
}

module attributes {stable_mosaic.version = 14 : i64} {
  func.func @_head_kernel(%arg0: i32, %arg1: memref<4x128x3456xf32, #tpu.memory_space<vmem>>, %arg2: memref<384x8xf32, #tpu.memory_space<vmem>>, %arg3: memref<1x8xf32, #tpu.memory_space<vmem>>, %arg4: memref<1536x8xf32, #tpu.memory_space<vmem>>, %arg5: memref<1x8xf32, #tpu.memory_space<vmem>>, %arg6: memref<1536x800xf32, #tpu.memory_space<vmem>>, %arg7: memref<8x100xf32, #tpu.memory_space<vmem>>, %arg8: memref<128x100xf32, #tpu.memory_space<vmem>>) attributes {dimension_semantics = [#tpu.dimension_semantics<arbitrary>], iteration_bounds = array<i64: 4>, scalar_prefetch = 0 : i64, scratch_operands = 0 : i64, tpu.core_type = #tpu.core_type<tc>, window_params = [{transform_indices = @transform_0, window_bounds = array<i64: 4, 128, 3456>}, {pipeline_mode = #tpu.pipeline_mode<synchronous>, transform_indices = @transform_1, window_bounds = array<i64: 384, 8>}, {pipeline_mode = #tpu.pipeline_mode<synchronous>, transform_indices = @transform_2, window_bounds = array<i64: 1, 8>}, {pipeline_mode = #tpu.pipeline_mode<synchronous>, transform_indices = @transform_3, window_bounds = array<i64: 1536, 8>}, {pipeline_mode = #tpu.pipeline_mode<synchronous>, transform_indices = @transform_4, window_bounds = array<i64: 1, 8>}, {pipeline_mode = #tpu.pipeline_mode<synchronous>, transform_indices = @transform_5, window_bounds = array<i64: 1536, 800>}, {pipeline_mode = #tpu.pipeline_mode<synchronous>, transform_indices = @transform_6, window_bounds = array<i64: 8, 100>}, {transform_indices = @transform_7, window_bounds = array<i64: 128, 100>}]} {
    %get3A = arith.constant 0 : index
    %get3A_0 = arith.constant 0 : index
    %get3A_1 = arith.constant 0 : index
    %get3A_2 = vector.load %arg1[%get3A, %get3A_0, %get3A_1] : memref<4x128x3456xf32, #tpu.memory_space<vmem>>, vector<1x128x3456xf32>
    %get3A_3 = vector.shape_cast %get3A_2 : vector<1x128x3456xf32> to vector<128x3456xf32>
    %get3A_4 = arith.constant 1 : index
    %get3A_5 = arith.constant 0 : index
    %get3A_6 = arith.constant 0 : index
    %get3A_7 = vector.load %arg1[%get3A_4, %get3A_5, %get3A_6] : memref<4x128x3456xf32, #tpu.memory_space<vmem>>, vector<1x128x3456xf32>
    %get3A_8 = vector.shape_cast %get3A_7 : vector<1x128x3456xf32> to vector<128x3456xf32>
    %get3A_9 = arith.constant 2 : index
    %get3A_10 = arith.constant 0 : index
    %get3A_11 = arith.constant 0 : index
    %get3A_12 = vector.load %arg1[%get3A_9, %get3A_10, %get3A_11] : memref<4x128x3456xf32, #tpu.memory_space<vmem>>, vector<1x128x3456xf32>
    %get3A_13 = vector.shape_cast %get3A_12 : vector<1x128x3456xf32> to vector<128x3456xf32>
    %get3A_14 = arith.constant 3 : index
    %get3A_15 = arith.constant 0 : index
    %get3A_16 = arith.constant 0 : index
    %get3A_17 = vector.load %arg1[%get3A_14, %get3A_15, %get3A_16] : memref<4x128x3456xf32, #tpu.memory_space<vmem>>, vector<1x128x3456xf32>
    %get3A_18 = vector.shape_cast %get3A_17 : vector<1x128x3456xf32> to vector<128x3456xf32>
    %add3A = arith.addf %get3A_3, %get3A_8 : vector<128x3456xf32>
    %add3A_19 = arith.addf %add3A, %get3A_13 : vector<128x3456xf32>
    %add3A_20 = arith.addf %add3A_19, %get3A_18 : vector<128x3456xf32>
    %slice3A = vector.extract_strided_slice %add3A_20 {offsets = [0, 0], sizes = [128, 384], strides = [1, 1]} : vector<128x3456xf32> to vector<128x384xf32>
    %mul3A = arith.constant 9.765625E-4 : f32
    %mul3A_21 = vector.broadcast %mul3A : f32 to vector<128x384xf32>
    %mul3A_22 = arith.mulf %slice3A, %mul3A_21 : vector<128x384xf32>
    %get3A_23 = arith.constant 0 : index
    %get3A_24 = arith.constant 0 : index
    %get3A_25 = vector.load %arg2[%get3A_23, %get3A_24] : memref<384x8xf32, #tpu.memory_space<vmem>>, vector<384x8xf32>
    %dot_general3A = arith.constant dense<0.000000e+00> : vector<128x8xf32>
    %dot_general3A_26 = tpu.matmul %mul3A_22, %get3A_25, %dot_general3A {dimension_numbers = #tpu.dot_dimension_numbers<[1], [0], [0], [1], [0, 0, 1, 1], [], []>, transpose_lhs_hint = false} : vector<128x384xf32>, vector<384x8xf32>, vector<128x8xf32> -> vector<128x8xf32>
    %get3A_27 = arith.constant 0 : index
    %get3A_28 = arith.constant 0 : index
    %get3A_29 = vector.load %arg3[%get3A_27, %get3A_28] : memref<1x8xf32, #tpu.memory_space<vmem>>, vector<1x8xf32>
    %add3A_30 = vector.broadcast %get3A_29 : vector<1x8xf32> to vector<128x8xf32>
    %add3A_31 = arith.addf %dot_general3A_26, %add3A_30 : vector<128x8xf32>
    %reduce_max3A = arith.constant dense<0xFF800000> : vector<128xf32>
    %reduce_max3A_32 = vector.multi_reduction <maximumf>, %add3A_31, %reduce_max3A [1] : vector<128x8xf32> to vector<128xf32>
    %broadcast_in_dim3A = vector.shape_cast %reduce_max3A_32 : vector<128xf32> to vector<128x1xf32>
    %sub3A = vector.broadcast %broadcast_in_dim3A : vector<128x1xf32> to vector<128x8xf32>
    %sub3A_33 = arith.subf %add3A_31, %sub3A : vector<128x8xf32>
    %exp3A = math.exp %sub3A_33 : vector<128x8xf32>
    %reduce_sum3A = arith.constant dense<0.000000e+00> : vector<128xf32>
    %reduce_sum3A_34 = vector.multi_reduction <add>, %exp3A, %reduce_sum3A [1] : vector<128x8xf32> to vector<128xf32>
    %broadcast_in_dim3A_35 = vector.shape_cast %reduce_sum3A_34 : vector<128xf32> to vector<128x1xf32>
    %div3A = vector.broadcast %broadcast_in_dim3A_35 : vector<128x1xf32> to vector<128x8xf32>
    %div3A_36 = arith.divf %exp3A, %div3A : vector<128x8xf32>
    %slice3A_37 = vector.extract_strided_slice %div3A_36 {offsets = [0, 0], sizes = [128, 1], strides = [1, 1]} : vector<128x8xf32> to vector<128x1xf32>
    %slice3A_38 = vector.extract_strided_slice %get3A_3 {offsets = [0, 384], sizes = [128, 384], strides = [1, 1]} : vector<128x3456xf32> to vector<128x384xf32>
    %mul3A_39 = vector.broadcast %slice3A_37 : vector<128x1xf32> to vector<128x384xf32>
    %mul3A_40 = arith.mulf %mul3A_39, %slice3A_38 : vector<128x384xf32>
    %slice3A_41 = vector.extract_strided_slice %div3A_36 {offsets = [0, 1], sizes = [128, 1], strides = [1, 1]} : vector<128x8xf32> to vector<128x1xf32>
    %slice3A_42 = vector.extract_strided_slice %get3A_3 {offsets = [0, 768], sizes = [128, 384], strides = [1, 1]} : vector<128x3456xf32> to vector<128x384xf32>
    %mul3A_43 = vector.broadcast %slice3A_41 : vector<128x1xf32> to vector<128x384xf32>
    %mul3A_44 = arith.mulf %mul3A_43, %slice3A_42 : vector<128x384xf32>
    %add3A_45 = arith.addf %mul3A_40, %mul3A_44 : vector<128x384xf32>
    %slice3A_46 = vector.extract_strided_slice %div3A_36 {offsets = [0, 2], sizes = [128, 1], strides = [1, 1]} : vector<128x8xf32> to vector<128x1xf32>
    %slice3A_47 = vector.extract_strided_slice %get3A_3 {offsets = [0, 1152], sizes = [128, 384], strides = [1, 1]} : vector<128x3456xf32> to vector<128x384xf32>
    %mul3A_48 = vector.broadcast %slice3A_46 : vector<128x1xf32> to vector<128x384xf32>
    %mul3A_49 = arith.mulf %mul3A_48, %slice3A_47 : vector<128x384xf32>
    %add3A_50 = arith.addf %add3A_45, %mul3A_49 : vector<128x384xf32>
    %slice3A_51 = vector.extract_strided_slice %div3A_36 {offsets = [0, 3], sizes = [128, 1], strides = [1, 1]} : vector<128x8xf32> to vector<128x1xf32>
    %slice3A_52 = vector.extract_strided_slice %get3A_3 {offsets = [0, 1536], sizes = [128, 384], strides = [1, 1]} : vector<128x3456xf32> to vector<128x384xf32>
    %mul3A_53 = vector.broadcast %slice3A_51 : vector<128x1xf32> to vector<128x384xf32>
    %mul3A_54 = arith.mulf %mul3A_53, %slice3A_52 : vector<128x384xf32>
    %add3A_55 = arith.addf %add3A_50, %mul3A_54 : vector<128x384xf32>
    %slice3A_56 = vector.extract_strided_slice %div3A_36 {offsets = [0, 4], sizes = [128, 1], strides = [1, 1]} : vector<128x8xf32> to vector<128x1xf32>
    %slice3A_57 = vector.extract_strided_slice %get3A_3 {offsets = [0, 1920], sizes = [128, 384], strides = [1, 1]} : vector<128x3456xf32> to vector<128x384xf32>
    %mul3A_58 = vector.broadcast %slice3A_56 : vector<128x1xf32> to vector<128x384xf32>
    %mul3A_59 = arith.mulf %mul3A_58, %slice3A_57 : vector<128x384xf32>
    %add3A_60 = arith.addf %add3A_55, %mul3A_59 : vector<128x384xf32>
    %slice3A_61 = vector.extract_strided_slice %div3A_36 {offsets = [0, 5], sizes = [128, 1], strides = [1, 1]} : vector<128x8xf32> to vector<128x1xf32>
    %slice3A_62 = vector.extract_strided_slice %get3A_3 {offsets = [0, 2304], sizes = [128, 384], strides = [1, 1]} : vector<128x3456xf32> to vector<128x384xf32>
    %mul3A_63 = vector.broadcast %slice3A_61 : vector<128x1xf32> to vector<128x384xf32>
    %mul3A_64 = arith.mulf %mul3A_63, %slice3A_62 : vector<128x384xf32>
    %add3A_65 = arith.addf %add3A_60, %mul3A_64 : vector<128x384xf32>
    %slice3A_66 = vector.extract_strided_slice %div3A_36 {offsets = [0, 6], sizes = [128, 1], strides = [1, 1]} : vector<128x8xf32> to vector<128x1xf32>
    %slice3A_67 = vector.extract_strided_slice %get3A_3 {offsets = [0, 2688], sizes = [128, 384], strides = [1, 1]} : vector<128x3456xf32> to vector<128x384xf32>
    %mul3A_68 = vector.broadcast %slice3A_66 : vector<128x1xf32> to vector<128x384xf32>
    %mul3A_69 = arith.mulf %mul3A_68, %slice3A_67 : vector<128x384xf32>
    %add3A_70 = arith.addf %add3A_65, %mul3A_69 : vector<128x384xf32>
    %slice3A_71 = vector.extract_strided_slice %div3A_36 {offsets = [0, 7], sizes = [128, 1], strides = [1, 1]} : vector<128x8xf32> to vector<128x1xf32>
    %slice3A_72 = vector.extract_strided_slice %get3A_3 {offsets = [0, 3072], sizes = [128, 384], strides = [1, 1]} : vector<128x3456xf32> to vector<128x384xf32>
    %mul3A_73 = vector.broadcast %slice3A_71 : vector<128x1xf32> to vector<128x384xf32>
    %mul3A_74 = arith.mulf %mul3A_73, %slice3A_72 : vector<128x384xf32>
    %add3A_75 = arith.addf %add3A_70, %mul3A_74 : vector<128x384xf32>
    %slice3A_76 = vector.extract_strided_slice %div3A_36 {offsets = [0, 0], sizes = [128, 1], strides = [1, 1]} : vector<128x8xf32> to vector<128x1xf32>
    %slice3A_77 = vector.extract_strided_slice %get3A_8 {offsets = [0, 384], sizes = [128, 384], strides = [1, 1]} : vector<128x3456xf32> to vector<128x384xf32>
    %mul3A_78 = vector.broadcast %slice3A_76 : vector<128x1xf32> to vector<128x384xf32>
    %mul3A_79 = arith.mulf %mul3A_78, %slice3A_77 : vector<128x384xf32>
    %slice3A_80 = vector.extract_strided_slice %div3A_36 {offsets = [0, 1], sizes = [128, 1], strides = [1, 1]} : vector<128x8xf32> to vector<128x1xf32>
    %slice3A_81 = vector.extract_strided_slice %get3A_8 {offsets = [0, 768], sizes = [128, 384], strides = [1, 1]} : vector<128x3456xf32> to vector<128x384xf32>
    %mul3A_82 = vector.broadcast %slice3A_80 : vector<128x1xf32> to vector<128x384xf32>
    %mul3A_83 = arith.mulf %mul3A_82, %slice3A_81 : vector<128x384xf32>
    %add3A_84 = arith.addf %mul3A_79, %mul3A_83 : vector<128x384xf32>
    %slice3A_85 = vector.extract_strided_slice %div3A_36 {offsets = [0, 2], sizes = [128, 1], strides = [1, 1]} : vector<128x8xf32> to vector<128x1xf32>
    %slice3A_86 = vector.extract_strided_slice %get3A_8 {offsets = [0, 1152], sizes = [128, 384], strides = [1, 1]} : vector<128x3456xf32> to vector<128x384xf32>
    %mul3A_87 = vector.broadcast %slice3A_85 : vector<128x1xf32> to vector<128x384xf32>
    %mul3A_88 = arith.mulf %mul3A_87, %slice3A_86 : vector<128x384xf32>
    %add3A_89 = arith.addf %add3A_84, %mul3A_88 : vector<128x384xf32>
    %slice3A_90 = vector.extract_strided_slice %div3A_36 {offsets = [0, 3], sizes = [128, 1], strides = [1, 1]} : vector<128x8xf32> to vector<128x1xf32>
    %slice3A_91 = vector.extract_strided_slice %get3A_8 {offsets = [0, 1536], sizes = [128, 384], strides = [1, 1]} : vector<128x3456xf32> to vector<128x384xf32>
    %mul3A_92 = vector.broadcast %slice3A_90 : vector<128x1xf32> to vector<128x384xf32>
    %mul3A_93 = arith.mulf %mul3A_92, %slice3A_91 : vector<128x384xf32>
    %add3A_94 = arith.addf %add3A_89, %mul3A_93 : vector<128x384xf32>
    %slice3A_95 = vector.extract_strided_slice %div3A_36 {offsets = [0, 4], sizes = [128, 1], strides = [1, 1]} : vector<128x8xf32> to vector<128x1xf32>
    %slice3A_96 = vector.extract_strided_slice %get3A_8 {offsets = [0, 1920], sizes = [128, 384], strides = [1, 1]} : vector<128x3456xf32> to vector<128x384xf32>
    %mul3A_97 = vector.broadcast %slice3A_95 : vector<128x1xf32> to vector<128x384xf32>
    %mul3A_98 = arith.mulf %mul3A_97, %slice3A_96 : vector<128x384xf32>
    %add3A_99 = arith.addf %add3A_94, %mul3A_98 : vector<128x384xf32>
    %slice3A_100 = vector.extract_strided_slice %div3A_36 {offsets = [0, 5], sizes = [128, 1], strides = [1, 1]} : vector<128x8xf32> to vector<128x1xf32>
    %slice3A_101 = vector.extract_strided_slice %get3A_8 {offsets = [0, 2304], sizes = [128, 384], strides = [1, 1]} : vector<128x3456xf32> to vector<128x384xf32>
    %mul3A_102 = vector.broadcast %slice3A_100 : vector<128x1xf32> to vector<128x384xf32>
    %mul3A_103 = arith.mulf %mul3A_102, %slice3A_101 : vector<128x384xf32>
    %add3A_104 = arith.addf %add3A_99, %mul3A_103 : vector<128x384xf32>
    %slice3A_105 = vector.extract_strided_slice %div3A_36 {offsets = [0, 6], sizes = [128, 1], strides = [1, 1]} : vector<128x8xf32> to vector<128x1xf32>
    %slice3A_106 = vector.extract_strided_slice %get3A_8 {offsets = [0, 2688], sizes = [128, 384], strides = [1, 1]} : vector<128x3456xf32> to vector<128x384xf32>
    %mul3A_107 = vector.broadcast %slice3A_105 : vector<128x1xf32> to vector<128x384xf32>
    %mul3A_108 = arith.mulf %mul3A_107, %slice3A_106 : vector<128x384xf32>
    %add3A_109 = arith.addf %add3A_104, %mul3A_108 : vector<128x384xf32>
    %slice3A_110 = vector.extract_strided_slice %div3A_36 {offsets = [0, 7], sizes = [128, 1], strides = [1, 1]} : vector<128x8xf32> to vector<128x1xf32>
    %slice3A_111 = vector.extract_strided_slice %get3A_8 {offsets = [0, 3072], sizes = [128, 384], strides = [1, 1]} : vector<128x3456xf32> to vector<128x384xf32>
    %mul3A_112 = vector.broadcast %slice3A_110 : vector<128x1xf32> to vector<128x384xf32>
    %mul3A_113 = arith.mulf %mul3A_112, %slice3A_111 : vector<128x384xf32>
    %add3A_114 = arith.addf %add3A_109, %mul3A_113 : vector<128x384xf32>
    %slice3A_115 = vector.extract_strided_slice %div3A_36 {offsets = [0, 0], sizes = [128, 1], strides = [1, 1]} : vector<128x8xf32> to vector<128x1xf32>
    %slice3A_116 = vector.extract_strided_slice %get3A_13 {offsets = [0, 384], sizes = [128, 384], strides = [1, 1]} : vector<128x3456xf32> to vector<128x384xf32>
    %mul3A_117 = vector.broadcast %slice3A_115 : vector<128x1xf32> to vector<128x384xf32>
    %mul3A_118 = arith.mulf %mul3A_117, %slice3A_116 : vector<128x384xf32>
    %slice3A_119 = vector.extract_strided_slice %div3A_36 {offsets = [0, 1], sizes = [128, 1], strides = [1, 1]} : vector<128x8xf32> to vector<128x1xf32>
    %slice3A_120 = vector.extract_strided_slice %get3A_13 {offsets = [0, 768], sizes = [128, 384], strides = [1, 1]} : vector<128x3456xf32> to vector<128x384xf32>
    %mul3A_121 = vector.broadcast %slice3A_119 : vector<128x1xf32> to vector<128x384xf32>
    %mul3A_122 = arith.mulf %mul3A_121, %slice3A_120 : vector<128x384xf32>
    %add3A_123 = arith.addf %mul3A_118, %mul3A_122 : vector<128x384xf32>
    %slice3A_124 = vector.extract_strided_slice %div3A_36 {offsets = [0, 2], sizes = [128, 1], strides = [1, 1]} : vector<128x8xf32> to vector<128x1xf32>
    %slice3A_125 = vector.extract_strided_slice %get3A_13 {offsets = [0, 1152], sizes = [128, 384], strides = [1, 1]} : vector<128x3456xf32> to vector<128x384xf32>
    %mul3A_126 = vector.broadcast %slice3A_124 : vector<128x1xf32> to vector<128x384xf32>
    %mul3A_127 = arith.mulf %mul3A_126, %slice3A_125 : vector<128x384xf32>
    %add3A_128 = arith.addf %add3A_123, %mul3A_127 : vector<128x384xf32>
    %slice3A_129 = vector.extract_strided_slice %div3A_36 {offsets = [0, 3], sizes = [128, 1], strides = [1, 1]} : vector<128x8xf32> to vector<128x1xf32>
    %slice3A_130 = vector.extract_strided_slice %get3A_13 {offsets = [0, 1536], sizes = [128, 384], strides = [1, 1]} : vector<128x3456xf32> to vector<128x384xf32>
    %mul3A_131 = vector.broadcast %slice3A_129 : vector<128x1xf32> to vector<128x384xf32>
    %mul3A_132 = arith.mulf %mul3A_131, %slice3A_130 : vector<128x384xf32>
    %add3A_133 = arith.addf %add3A_128, %mul3A_132 : vector<128x384xf32>
    %slice3A_134 = vector.extract_strided_slice %div3A_36 {offsets = [0, 4], sizes = [128, 1], strides = [1, 1]} : vector<128x8xf32> to vector<128x1xf32>
    %slice3A_135 = vector.extract_strided_slice %get3A_13 {offsets = [0, 1920], sizes = [128, 384], strides = [1, 1]} : vector<128x3456xf32> to vector<128x384xf32>
    %mul3A_136 = vector.broadcast %slice3A_134 : vector<128x1xf32> to vector<128x384xf32>
    %mul3A_137 = arith.mulf %mul3A_136, %slice3A_135 : vector<128x384xf32>
    %add3A_138 = arith.addf %add3A_133, %mul3A_137 : vector<128x384xf32>
    %slice3A_139 = vector.extract_strided_slice %div3A_36 {offsets = [0, 5], sizes = [128, 1], strides = [1, 1]} : vector<128x8xf32> to vector<128x1xf32>
    %slice3A_140 = vector.extract_strided_slice %get3A_13 {offsets = [0, 2304], sizes = [128, 384], strides = [1, 1]} : vector<128x3456xf32> to vector<128x384xf32>
    %mul3A_141 = vector.broadcast %slice3A_139 : vector<128x1xf32> to vector<128x384xf32>
    %mul3A_142 = arith.mulf %mul3A_141, %slice3A_140 : vector<128x384xf32>
    %add3A_143 = arith.addf %add3A_138, %mul3A_142 : vector<128x384xf32>
    %slice3A_144 = vector.extract_strided_slice %div3A_36 {offsets = [0, 6], sizes = [128, 1], strides = [1, 1]} : vector<128x8xf32> to vector<128x1xf32>
    %slice3A_145 = vector.extract_strided_slice %get3A_13 {offsets = [0, 2688], sizes = [128, 384], strides = [1, 1]} : vector<128x3456xf32> to vector<128x384xf32>
    %mul3A_146 = vector.broadcast %slice3A_144 : vector<128x1xf32> to vector<128x384xf32>
    %mul3A_147 = arith.mulf %mul3A_146, %slice3A_145 : vector<128x384xf32>
    %add3A_148 = arith.addf %add3A_143, %mul3A_147 : vector<128x384xf32>
    %slice3A_149 = vector.extract_strided_slice %div3A_36 {offsets = [0, 7], sizes = [128, 1], strides = [1, 1]} : vector<128x8xf32> to vector<128x1xf32>
    %slice3A_150 = vector.extract_strided_slice %get3A_13 {offsets = [0, 3072], sizes = [128, 384], strides = [1, 1]} : vector<128x3456xf32> to vector<128x384xf32>
    %mul3A_151 = vector.broadcast %slice3A_149 : vector<128x1xf32> to vector<128x384xf32>
    %mul3A_152 = arith.mulf %mul3A_151, %slice3A_150 : vector<128x384xf32>
    %add3A_153 = arith.addf %add3A_148, %mul3A_152 : vector<128x384xf32>
    %slice3A_154 = vector.extract_strided_slice %div3A_36 {offsets = [0, 0], sizes = [128, 1], strides = [1, 1]} : vector<128x8xf32> to vector<128x1xf32>
    %slice3A_155 = vector.extract_strided_slice %get3A_18 {offsets = [0, 384], sizes = [128, 384], strides = [1, 1]} : vector<128x3456xf32> to vector<128x384xf32>
    %mul3A_156 = vector.broadcast %slice3A_154 : vector<128x1xf32> to vector<128x384xf32>
    %mul3A_157 = arith.mulf %mul3A_156, %slice3A_155 : vector<128x384xf32>
    %slice3A_158 = vector.extract_strided_slice %div3A_36 {offsets = [0, 1], sizes = [128, 1], strides = [1, 1]} : vector<128x8xf32> to vector<128x1xf32>
    %slice3A_159 = vector.extract_strided_slice %get3A_18 {offsets = [0, 768], sizes = [128, 384], strides = [1, 1]} : vector<128x3456xf32> to vector<128x384xf32>
    %mul3A_160 = vector.broadcast %slice3A_158 : vector<128x1xf32> to vector<128x384xf32>
    %mul3A_161 = arith.mulf %mul3A_160, %slice3A_159 : vector<128x384xf32>
    %add3A_162 = arith.addf %mul3A_157, %mul3A_161 : vector<128x384xf32>
    %slice3A_163 = vector.extract_strided_slice %div3A_36 {offsets = [0, 2], sizes = [128, 1], strides = [1, 1]} : vector<128x8xf32> to vector<128x1xf32>
    %slice3A_164 = vector.extract_strided_slice %get3A_18 {offsets = [0, 1152], sizes = [128, 384], strides = [1, 1]} : vector<128x3456xf32> to vector<128x384xf32>
    %mul3A_165 = vector.broadcast %slice3A_163 : vector<128x1xf32> to vector<128x384xf32>
    %mul3A_166 = arith.mulf %mul3A_165, %slice3A_164 : vector<128x384xf32>
    %add3A_167 = arith.addf %add3A_162, %mul3A_166 : vector<128x384xf32>
    %slice3A_168 = vector.extract_strided_slice %div3A_36 {offsets = [0, 3], sizes = [128, 1], strides = [1, 1]} : vector<128x8xf32> to vector<128x1xf32>
    %slice3A_169 = vector.extract_strided_slice %get3A_18 {offsets = [0, 1536], sizes = [128, 384], strides = [1, 1]} : vector<128x3456xf32> to vector<128x384xf32>
    %mul3A_170 = vector.broadcast %slice3A_168 : vector<128x1xf32> to vector<128x384xf32>
    %mul3A_171 = arith.mulf %mul3A_170, %slice3A_169 : vector<128x384xf32>
    %add3A_172 = arith.addf %add3A_167, %mul3A_171 : vector<128x384xf32>
    %slice3A_173 = vector.extract_strided_slice %div3A_36 {offsets = [0, 4], sizes = [128, 1], strides = [1, 1]} : vector<128x8xf32> to vector<128x1xf32>
    %slice3A_174 = vector.extract_strided_slice %get3A_18 {offsets = [0, 1920], sizes = [128, 384], strides = [1, 1]} : vector<128x3456xf32> to vector<128x384xf32>
    %mul3A_175 = vector.broadcast %slice3A_173 : vector<128x1xf32> to vector<128x384xf32>
    %mul3A_176 = arith.mulf %mul3A_175, %slice3A_174 : vector<128x384xf32>
    %add3A_177 = arith.addf %add3A_172, %mul3A_176 : vector<128x384xf32>
    %slice3A_178 = vector.extract_strided_slice %div3A_36 {offsets = [0, 5], sizes = [128, 1], strides = [1, 1]} : vector<128x8xf32> to vector<128x1xf32>
    %slice3A_179 = vector.extract_strided_slice %get3A_18 {offsets = [0, 2304], sizes = [128, 384], strides = [1, 1]} : vector<128x3456xf32> to vector<128x384xf32>
    %mul3A_180 = vector.broadcast %slice3A_178 : vector<128x1xf32> to vector<128x384xf32>
    %mul3A_181 = arith.mulf %mul3A_180, %slice3A_179 : vector<128x384xf32>
    %add3A_182 = arith.addf %add3A_177, %mul3A_181 : vector<128x384xf32>
    %slice3A_183 = vector.extract_strided_slice %div3A_36 {offsets = [0, 6], sizes = [128, 1], strides = [1, 1]} : vector<128x8xf32> to vector<128x1xf32>
    %slice3A_184 = vector.extract_strided_slice %get3A_18 {offsets = [0, 2688], sizes = [128, 384], strides = [1, 1]} : vector<128x3456xf32> to vector<128x384xf32>
    %mul3A_185 = vector.broadcast %slice3A_183 : vector<128x1xf32> to vector<128x384xf32>
    %mul3A_186 = arith.mulf %mul3A_185, %slice3A_184 : vector<128x384xf32>
    %add3A_187 = arith.addf %add3A_182, %mul3A_186 : vector<128x384xf32>
    %slice3A_188 = vector.extract_strided_slice %div3A_36 {offsets = [0, 7], sizes = [128, 1], strides = [1, 1]} : vector<128x8xf32> to vector<128x1xf32>
    %slice3A_189 = vector.extract_strided_slice %get3A_18 {offsets = [0, 3072], sizes = [128, 384], strides = [1, 1]} : vector<128x3456xf32> to vector<128x384xf32>
    %mul3A_190 = vector.broadcast %slice3A_188 : vector<128x1xf32> to vector<128x384xf32>
    %mul3A_191 = arith.mulf %mul3A_190, %slice3A_189 : vector<128x384xf32>
    %add3A_192 = arith.addf %add3A_187, %mul3A_191 : vector<128x384xf32>
    %concatenate3A = tpu.concatenate %add3A_75, %add3A_114, %add3A_153, %add3A_192 in 1 : vector<128x384xf32>, vector<128x384xf32>, vector<128x384xf32>, vector<128x384xf32> -> vector<128x1536xf32>
    %mul3A_193 = arith.constant 3.906250e-03 : f32
    %mul3A_194 = vector.broadcast %mul3A_193 : f32 to vector<128x1536xf32>
    %mul3A_195 = arith.mulf %concatenate3A, %mul3A_194 : vector<128x1536xf32>
    %get3A_196 = arith.constant 0 : index
    %get3A_197 = arith.constant 0 : index
    %get3A_198 = vector.load %arg4[%get3A_196, %get3A_197] : memref<1536x8xf32, #tpu.memory_space<vmem>>, vector<1536x8xf32>
    %dot_general3A_199 = arith.constant dense<0.000000e+00> : vector<128x8xf32>
    %dot_general3A_200 = tpu.matmul %mul3A_195, %get3A_198, %dot_general3A_199 {dimension_numbers = #tpu.dot_dimension_numbers<[1], [0], [0], [1], [0, 0, 1, 1], [], []>, transpose_lhs_hint = false} : vector<128x1536xf32>, vector<1536x8xf32>, vector<128x8xf32> -> vector<128x8xf32>
    %get3A_201 = arith.constant 0 : index
    %get3A_202 = arith.constant 0 : index
    %get3A_203 = vector.load %arg5[%get3A_201, %get3A_202] : memref<1x8xf32, #tpu.memory_space<vmem>>, vector<1x8xf32>
    %add3A_204 = vector.broadcast %get3A_203 : vector<1x8xf32> to vector<128x8xf32>
    %add3A_205 = arith.addf %dot_general3A_200, %add3A_204 : vector<128x8xf32>
    %reduce_max3A_206 = arith.constant dense<0xFF800000> : vector<128xf32>
    %reduce_max3A_207 = vector.multi_reduction <maximumf>, %add3A_205, %reduce_max3A_206 [1] : vector<128x8xf32> to vector<128xf32>
    %broadcast_in_dim3A_208 = vector.shape_cast %reduce_max3A_207 : vector<128xf32> to vector<128x1xf32>
    %sub3A_209 = vector.broadcast %broadcast_in_dim3A_208 : vector<128x1xf32> to vector<128x8xf32>
    %sub3A_210 = arith.subf %add3A_205, %sub3A_209 : vector<128x8xf32>
    %exp3A_211 = math.exp %sub3A_210 : vector<128x8xf32>
    %reduce_sum3A_212 = arith.constant dense<0.000000e+00> : vector<128xf32>
    %reduce_sum3A_213 = vector.multi_reduction <add>, %exp3A_211, %reduce_sum3A_212 [1] : vector<128x8xf32> to vector<128xf32>
    %broadcast_in_dim3A_214 = vector.shape_cast %reduce_sum3A_213 : vector<128xf32> to vector<128x1xf32>
    %div3A_215 = vector.broadcast %broadcast_in_dim3A_214 : vector<128x1xf32> to vector<128x8xf32>
    %div3A_216 = arith.divf %exp3A_211, %div3A_215 : vector<128x8xf32>
    %get3A_217 = arith.constant 0 : index
    %get3A_218 = arith.constant 0 : index
    %get3A_219 = vector.load %arg6[%get3A_217, %get3A_218] : memref<1536x800xf32, #tpu.memory_space<vmem>>, vector<1536x800xf32>
    %dot_general3A_220 = arith.constant dense<0.000000e+00> : vector<128x800xf32>
    %dot_general3A_221 = tpu.matmul %mul3A_195, %get3A_219, %dot_general3A_220 {dimension_numbers = #tpu.dot_dimension_numbers<[1], [0], [0], [1], [0, 0, 1, 1], [], []>, transpose_lhs_hint = false} : vector<128x1536xf32>, vector<1536x800xf32>, vector<128x800xf32> -> vector<128x800xf32>
    %slice3A_222 = vector.extract_strided_slice %div3A_216 {offsets = [0, 0], sizes = [128, 1], strides = [1, 1]} : vector<128x8xf32> to vector<128x1xf32>
    %slice3A_223 = vector.extract_strided_slice %dot_general3A_221 {offsets = [0, 0], sizes = [128, 100], strides = [1, 1]} : vector<128x800xf32> to vector<128x100xf32>
    %mul3A_224 = vector.broadcast %slice3A_222 : vector<128x1xf32> to vector<128x100xf32>
    %mul3A_225 = arith.mulf %mul3A_224, %slice3A_223 : vector<128x100xf32>
    %slice3A_226 = vector.extract_strided_slice %div3A_216 {offsets = [0, 1], sizes = [128, 1], strides = [1, 1]} : vector<128x8xf32> to vector<128x1xf32>
    %slice3A_227 = vector.extract_strided_slice %dot_general3A_221 {offsets = [0, 100], sizes = [128, 100], strides = [1, 1]} : vector<128x800xf32> to vector<128x100xf32>
    %mul3A_228 = vector.broadcast %slice3A_226 : vector<128x1xf32> to vector<128x100xf32>
    %mul3A_229 = arith.mulf %mul3A_228, %slice3A_227 : vector<128x100xf32>
    %add3A_230 = arith.addf %mul3A_225, %mul3A_229 : vector<128x100xf32>
    %slice3A_231 = vector.extract_strided_slice %div3A_216 {offsets = [0, 2], sizes = [128, 1], strides = [1, 1]} : vector<128x8xf32> to vector<128x1xf32>
    %slice3A_232 = vector.extract_strided_slice %dot_general3A_221 {offsets = [0, 200], sizes = [128, 100], strides = [1, 1]} : vector<128x800xf32> to vector<128x100xf32>
    %mul3A_233 = vector.broadcast %slice3A_231 : vector<128x1xf32> to vector<128x100xf32>
    %mul3A_234 = arith.mulf %mul3A_233, %slice3A_232 : vector<128x100xf32>
    %add3A_235 = arith.addf %add3A_230, %mul3A_234 : vector<128x100xf32>
    %slice3A_236 = vector.extract_strided_slice %div3A_216 {offsets = [0, 3], sizes = [128, 1], strides = [1, 1]} : vector<128x8xf32> to vector<128x1xf32>
    %slice3A_237 = vector.extract_strided_slice %dot_general3A_221 {offsets = [0, 300], sizes = [128, 100], strides = [1, 1]} : vector<128x800xf32> to vector<128x100xf32>
    %mul3A_238 = vector.broadcast %slice3A_236 : vector<128x1xf32> to vector<128x100xf32>
    %mul3A_239 = arith.mulf %mul3A_238, %slice3A_237 : vector<128x100xf32>
    %add3A_240 = arith.addf %add3A_235, %mul3A_239 : vector<128x100xf32>
    %slice3A_241 = vector.extract_strided_slice %div3A_216 {offsets = [0, 4], sizes = [128, 1], strides = [1, 1]} : vector<128x8xf32> to vector<128x1xf32>
    %slice3A_242 = vector.extract_strided_slice %dot_general3A_221 {offsets = [0, 400], sizes = [128, 100], strides = [1, 1]} : vector<128x800xf32> to vector<128x100xf32>
    %mul3A_243 = vector.broadcast %slice3A_241 : vector<128x1xf32> to vector<128x100xf32>
    %mul3A_244 = arith.mulf %mul3A_243, %slice3A_242 : vector<128x100xf32>
    %add3A_245 = arith.addf %add3A_240, %mul3A_244 : vector<128x100xf32>
    %slice3A_246 = vector.extract_strided_slice %div3A_216 {offsets = [0, 5], sizes = [128, 1], strides = [1, 1]} : vector<128x8xf32> to vector<128x1xf32>
    %slice3A_247 = vector.extract_strided_slice %dot_general3A_221 {offsets = [0, 500], sizes = [128, 100], strides = [1, 1]} : vector<128x800xf32> to vector<128x100xf32>
    %mul3A_248 = vector.broadcast %slice3A_246 : vector<128x1xf32> to vector<128x100xf32>
    %mul3A_249 = arith.mulf %mul3A_248, %slice3A_247 : vector<128x100xf32>
    %add3A_250 = arith.addf %add3A_245, %mul3A_249 : vector<128x100xf32>
    %slice3A_251 = vector.extract_strided_slice %div3A_216 {offsets = [0, 6], sizes = [128, 1], strides = [1, 1]} : vector<128x8xf32> to vector<128x1xf32>
    %slice3A_252 = vector.extract_strided_slice %dot_general3A_221 {offsets = [0, 600], sizes = [128, 100], strides = [1, 1]} : vector<128x800xf32> to vector<128x100xf32>
    %mul3A_253 = vector.broadcast %slice3A_251 : vector<128x1xf32> to vector<128x100xf32>
    %mul3A_254 = arith.mulf %mul3A_253, %slice3A_252 : vector<128x100xf32>
    %add3A_255 = arith.addf %add3A_250, %mul3A_254 : vector<128x100xf32>
    %slice3A_256 = vector.extract_strided_slice %div3A_216 {offsets = [0, 7], sizes = [128, 1], strides = [1, 1]} : vector<128x8xf32> to vector<128x1xf32>
    %slice3A_257 = vector.extract_strided_slice %dot_general3A_221 {offsets = [0, 700], sizes = [128, 100], strides = [1, 1]} : vector<128x800xf32> to vector<128x100xf32>
    %mul3A_258 = vector.broadcast %slice3A_256 : vector<128x1xf32> to vector<128x100xf32>
    %mul3A_259 = arith.mulf %mul3A_258, %slice3A_257 : vector<128x100xf32>
    %add3A_260 = arith.addf %add3A_255, %mul3A_259 : vector<128x100xf32>
    %get3A_261 = arith.constant 0 : index
    %get3A_262 = arith.constant 0 : index
    %get3A_263 = vector.load %arg7[%get3A_261, %get3A_262] : memref<8x100xf32, #tpu.memory_space<vmem>>, vector<8x100xf32>
    %dot_general3A_264 = arith.constant dense<0.000000e+00> : vector<128x100xf32>
    %dot_general3A_265 = tpu.matmul %div3A_216, %get3A_263, %dot_general3A_264 {dimension_numbers = #tpu.dot_dimension_numbers<[1], [0], [0], [1], [0, 0, 1, 1], [], []>, transpose_lhs_hint = false} : vector<128x8xf32>, vector<8x100xf32>, vector<128x100xf32> -> vector<128x100xf32>
    %add3A_266 = arith.addf %add3A_260, %dot_general3A_265 : vector<128x100xf32>
    %swap3A = arith.constant 0 : index
    %swap3A_267 = arith.constant 0 : index
    %swap3A_268 = vector.load %arg8[%swap3A, %swap3A_267] : memref<128x100xf32, #tpu.memory_space<vmem>>, vector<128x100xf32>
    tpu.vector_store %arg8[%swap3A, %swap3A_267], %add3A_266 {strides = array<i32>} : memref<128x100xf32, #tpu.memory_space<vmem>>, vector<128x100xf32>,
    return
  }
  func.func @transform_0(%arg0: i32) -> (i32, i32, i32) {
    %c0_i32 = arith.constant 0 : i32
    %c0_i32_0 = arith.constant 0 : i32
    %c0_i32_1 = arith.constant 0 : i32
    return %c0_i32, %arg0, %c0_i32_0 : i32, i32, i32
  }
  func.func @transform_1(%arg0: i32) -> (i32, i32) {
    %c0_i32 = arith.constant 0 : i32
    %c0_i32_0 = arith.constant 0 : i32
    %c0_i32_1 = arith.constant 0 : i32
    return %c0_i32, %c0_i32_0 : i32, i32
  }
  func.func @transform_2(%arg0: i32) -> (i32, i32) {
    %c0_i32 = arith.constant 0 : i32
    %c0_i32_0 = arith.constant 0 : i32
    %c0_i32_1 = arith.constant 0 : i32
    return %c0_i32, %c0_i32_0 : i32, i32
  }
  func.func @transform_3(%arg0: i32) -> (i32, i32) {
    %c0_i32 = arith.constant 0 : i32
    %c0_i32_0 = arith.constant 0 : i32
    %c0_i32_1 = arith.constant 0 : i32
    return %c0_i32, %c0_i32_0 : i32, i32
  }
  func.func @transform_4(%arg0: i32) -> (i32, i32) {
    %c0_i32 = arith.constant 0 : i32
    %c0_i32_0 = arith.constant 0 : i32
    %c0_i32_1 = arith.constant 0 : i32
    return %c0_i32, %c0_i32_0 : i32, i32
  }
  func.func @transform_5(%arg0: i32) -> (i32, i32) {
    %c0_i32 = arith.constant 0 : i32
    %c0_i32_0 = arith.constant 0 : i32
    %c0_i32_1 = arith.constant 0 : i32
    return %c0_i32, %c0_i32_0 : i32, i32
  }
  func.func @transform_6(%arg0: i32) -> (i32, i32) {
    %c0_i32 = arith.constant 0 : i32
    %c0_i32_0 = arith.constant 0 : i32
    %c0_i32_1 = arith.constant 0 : i32
    return %c0_i32, %c0_i32_0 : i32, i32
  }
  func.func @transform_7(%arg0: i32) -> (i32, i32) {
    %c0_i32 = arith.constant 0 : i32
    %c0_i32_0 = arith.constant 0 : i32
    return %arg0, %c0_i32 : i32, i32
  }
}

</mosaic_0001>

<sc_bundles>
// kernel: sparse-core-data-format-call.cloned.1.call-start
scs
called_computation_lowered:
.L_overlay_start_0:
0x0: {  	s1 =	sld [smem:$0x3FD9]  }
0x1: {  	s2 =	sld [smem:$0x3FFE];
	_ =	sdelay $0x1  }
0x2: {  	s3 =	srdreg.scid  }
0x3: {  	s0 =	sand.u32 $0x1, s3  }
0x4: {  	s17 =	sshll.u32 s0, $0xA;
	s1 =	sadd.s32 s2, s1  }
0x5: {  	s1 =	sadd.s32 s1, s17  }
0x6: {  	[smem:$0x3FBD] =	sst s1  }
0x7: {  	_ = 	snop  }
0x8: {  	(tm) =	ssettm $0x1  }
0x9: {  	s18 =	sld [smem:$0x3FFB];
	_ =	sdelay $0x3  }
0xa: {  	_ =	strace s18  }
0xb: {  	s1 =	sld [smem:$0x3FFC];
	_ =	sdelay $0x3  }
0xc: {  	_ =	strace s1  }
0xd: {  	s1 =	sld [smem:$0x3FFD];
	_ =	sdelay $0x3  }
0xe: {  	_ =	strace s1  }
0xf: {  	_ =	strace $0x8FFFFFFF  }
0x10: {  	s19 =	sld [smem:$0x3FDB];
	_ =	sdelay $0x1  }
0x11: {  	s20 =	simm.s32 $_scs_section_size  }
0x12: {  	s4 =	simm.s32 $_size__tile_overlayer_lowered;
	s5 =	simm.s32 $_tile_overlayer_lowered  }
0x13: {  	s23 =	simm.s32 $0x1BFF;
	s22 =	sshll.u32 s5, $0x1;
	s1 =	sadd.s32 s20, s19  }
0x14: {  	s6 =	simm.s32 $0x0;
	s21 =	sshll.u32 s4, $0x1;
	s4 =	sadd.s32 s22, s1  }
0x15: {  	[timem:s6], [sflag:s23] =	dma.local [hbm:s4], s21  }
0x16: {  	_ =	swait.ge [sflag:s23], s21  }
0x17: {  	s2 =	ssub.s32 $0x0, s21;
	[sflag:s23] =	ssyncset.done $0x0  }
0x18: {  	[sflag:s23] =	ssyncadd.s32 s2;
	_ =	sdelay $0x1  }
0x19: {  	s24 =	simm.s32 $0x1B8B  }
0x1a: {  	_ =	swait.ge [sflag:s24], $0x1  }
0x1b: {  	[sflag:s24] =	ssyncset.done $0x0  }
0x1c: {  	s26 =	simm.s32 $0x1B8E;
	s25 =	sld [smem:$0x3FFE];
	[sflag:s24] =	ssyncadd.s32 $0xFFFFFFFF  }
0x1d: {  	s27 =	simm.s32 $execute0_lowered;
	[smem:$0x3FD2] =	sst s26  }
0x1e: {  	s4 =	sshll.u32 s27, $0x1;
	_ =	strace $0x80000046;
	[dreg:$0x1] =	wrdreg $0xFFFFFFFF  }
0x1f: {  	s28 =	simm.s32 $_size_execute0_lowered;
	s1 =	sadd.s32 s1, s4;
	[dreg:$0x0] =	wrdreg $0x0  }
0x20: {  	s4 =	sshll.u32 s28, $0x1;
	[dreg:$0x2] =	wrdreg s1  }
0x21: {  	[dreg:$0x3] =	wrdreg s4  }
0x22: {  	[dreg:$0x4] =	wrdreg $0xC0  }
0x23: {  	_ =	task [dreg:s6], $0x5FFFF  }
0x24: {  	[dreg:$0x1] =	wrdreg $0xFFFFFFFF  }
0x25: {  	[dreg:$0x0] =	wrdreg $0x60  }
0x26: {  	[dreg:$0x2] =	wrdreg s25  }
0x27: {  	[dreg:$0x3] =	wrdreg $0x9  }
0x28: {  	_ =	task.clear_ibuf [dreg:s6], $0x4FFFF;
	_ =	strace $0x90000046  }
0x29: {  	s29 =	simm.s32 $0x9;
	_ =	strace $0x80000048  }
0x2a: {  	_ =	swait.ge [sflag:s29], $0x1  }
0x2b: {  	[sflag:s29] =	ssyncadd.s32 $0xFFFFFFFF  }
0x2c: {  	_ =	strace $0x90000048  }
0x2d: {  	_ =	sfence  }
0x2e: {  	s30 =	sld [smem:$0x0];
	_ =	sdelay $0x2  }
0x2f: {  	s31 =	sshll.u32 s3, $0xD;
	s3 =	sshrl.u32 s3, $0x2  }
0x30: {  	s2 =	sand.u32 $0x4000, s31;
	s1 =	sadd.s32 s3, s30  }
0x31: {  	s0 =	sor.u32 s2, s0;
	s1 =	sshll.u32 s1, $0x11  }
0x32: {  	s0 =	sor.u32 s1, s0  }
0x33: {  	s0 =	sadd.s32 $0x8F2B, s0  }
0x34: {  	[sflag:s0] =	ssyncadd.remote.s32 $0x1  }
0x35: {  	_ =	sfence.sel $0xFFFF  }
0x36: {  	[dreg:$0x0] =	wrdreg $0xFFFFFFFF;
	(pc) =	sbr.abs _section_cstart, $3  }
0x37: {  	[dreg:$0x1] =	wrdreg $0xFFFFFFFF  }
0x38: {  	_ =	task.clear_ibuf [dreg:s6], $0x2FFFF;
	_ =	strace $0x9FFFFFFF  }
0x39: {  	(tm) =	ssettm $0x7FFFFFFF  }
tec
execute0_lowered:
.L_overlay_start_1:
0x0: {  	(tag) =	ssettag $0x1  }
0x1: {  	s0 =	stileid.u32  }
0x2: {  	s1 =	srdreg.scid;
	s4 =	rddreg [dreg:$0x0]  }
0x3: {  	s7 =	simm.s32 $0x1;
	s8 =	simm.s32 $0x2;
	s9 =	simm.s32 $0x0  }
0x4: {  	s14 =	simm.s32 $0x0;
	s2 =	sshll.u32 s0, $0x2;
	s1 =	sshll.u32 s1, $0x6  }
0x5: {  	s15 =	simm.s32 $0x0;
	s16 =	simm.s32 $0x0;
	s1 =	sor.u32 s2, s1  }
0x6: {  	s11 =	simm.s32 $0x0;
	s13 =	simm.s32 $0x0;
	s2 =	sand.u32 $0x70, s1  }
0x7: {  	s3 =	sadd.s32 $0x3800, s4;
	s4 =	sadd.s32 $0x103800, s4;
	s6 =	ssub.s32 $0x800, s2  }
.Ltmp0:
0x8: {  	s1 =	rddreg [dreg:$0x1];
	s5 =	sand.u32 $0x70, s6;
	(pc) =	sbr.rel .LBB1_1-.Ltmp0, $4  }
0x9: {  	_ =	strace $0x80000047;
	s10 =	smov.u32 s2;
	p0 =	sne.s32 s5, $0x0  }
0xa: {  	s6 =	sshrl.u32 s6, $0x7;
	s5 =	simm.s32 $0x1;
	s7 =	simm.s32 @!p0 $0x0  }
0xb: {  	[sflag:s5] =	ssyncpa.u1 $0x0;
	s6 =	sadd.s32 s7, s6;
	s7 =	sand.u32 $0x3, s0  }
0xc: {  	[sflag:s8] =	ssyncpa.u1 $0x0;
	s8 =	sadd.s32 $0x1, s6;
	s12 =	smov.u32 s7  }
.LBB1_9:
0xd: {  	s17 =	sadd.s32 $0x80, s10  }
0xe: {  	s14 =	sadd.s32 $0x8, s11;
	s18 =	smov.u32 s11;
	p1 =	sgt.s32 s17, $0x7FF  }
0xf: {  	s18 =	smov.u32 @p1 s14  }
0x10: {  	s20 =	smov.u32 s12;
	s14 =	sadd.s32 $0x4, s12;
	p2 =	sgt.s32 s18, $0x7  }
0x11: {  	s20 =	smov.u32 @p2 s14  }
0x12: {  	s17 =	smov.u32 @p1 s2;
	p1 =	sgt.s32 s20, $0x3  }
0x13: {  	p0 =	slt.u32 s13, $0x2;
	s20 =	smov.u32 @p1 s7;
	p1 =	sne.s32 s13, s8  }
.Ltmp1:
0x14: {  	s19 =	simm.s32 @!p0 $0x2;
	(pc) =	sbr.rel @!p1 .LBB1_10-.Ltmp1, $4  }
0x15: {  	s15 =	smov.u32 s11;
	_ =	swait.ge @!p0 [sflag:s19], $0x4000  }
0x16: {  	s16 =	smov.u32 s12;
	[sflag:s19] =	ssyncset.done @!p0 $0x0;
	s18 =	simm.s32 @p2 $0x0  }
0x17: {  	s14 =	smov.u32 s10;
	[sflag:s19] =	ssyncadd.s32 @!p0 $0xFFFFC000;
	s10 =	smov.u32 s17  }
0x18: {  	s11 =	smov.u32 s18;
	s13 =	sadd.s32 $0x1, s13;
	s12 =	smov.u32 s20  }
.LBB1_1:
0x19: {  	p0 =	sge.u32 s13, s6  }
0x1a: {  	s17 =	sshll.u32 @!p0 s10, $0x8;
	s18 =	sshll.u32 @!p0 s10, $0x7  }
0x1b: {  	s19 =	sshll.u32 @!p0 s12, $0x12;
	s17 =	sand.u32 @!p0 $0x7F800, s17;
	s18 =	sand.u32 @!p0 $0x300, s18  }
0x1c: {  	s19 =	sadd.s32 @!p0 s3, s19;
	s17 =	sor.u32 @!p0 s18, s17;
	s18 =	sshll.u32 @!p0 s11, $0xF  }
0x1d: {  	s20 =	sxor.u32 @!p0 $0xFFFFFFFF, s13;
	s17 =	sshrl.u32 @!p0 s17, $0x4;
	s18 =	sadd.s32 @!p0 s18, s19  }
0x1e: {  	s31 =	sadd.s32 $0xFFFFFFFF, s13;
	s17 =	sadd.s32 @!p0 s17, s18;
	s18 =	sshll.u32 @!p0 s20, $0xE  }
0x1f: {  	s19 =	simm.s32 @!p0 $0x800;
	s20 =	simm.s32 @!p0 $0x40000;
	s18 =	sand.u32 @!p0 $0x4000, s18  }
0x20: {  	[tilespmem:s18], [sflag:$0x1] =	stream.strided.gather @!p0 [hbm4b:s17+s19], $0x4000, s20, s19, $0x38;
	[tilespmem:$0x10000] =	vst v63  }
0x21: {  	p0 =	sge.u32 s31, s6  }
.Ltmp2:
0x22: {  	_ = 	snop;
	(pc) =	sbr.rel @p0 .LBB1_9-.Ltmp2, $1  }
0x23: {  	_ =	sdelay $0x3  }
0x24: {  	_ =	swait.ge [sflag:s5], $0x4000;
	s17 =	sshll.u32 s13, $0xE  }
0x25: {  	[sflag:s5] =	ssyncset.done $0x0;
	s18 =	sand.u32 $0x4000, s17  }
0x26: {  	s19 =	simm.s32 $0x0;
	[sflag:s5] =	ssyncadd.s32 $0xFFFFC000;
	s17 =	sor.u32 $0x8000, s18  }
.LBB1_3:
0x27: {  	s20 =	sshll.u32 s19, $0xB  }
0x28: {  	s20 =	sand.u32 $0x3FFFF800, s20  }
0x29: {  	s21 =	sadd.s32 s20, s18  }
0x2a: {  	s22 =	sadd.s32 $0x800, s21;
	v0 =	vmov s21  }
0x2b: {  	v1 =	vmov s22  }
0x2c: {  	s20 =	sshll.u32 s19, $0x7;
	s21 =	simm.s32 $0x0  }
.LBB1_4:
0x2d: {  	s22 =	sshll.u32 s21, $0xA  }
0x2e: {  	s22 =	sand.u32 $0x3FFFFC00, s22  }
0x2f: {  	s23 =	sshll.u32 s21, $0x8;
	s24 =	sshll.u32 s21, $0x7;
	s25 =	sadd.s32 s22, s17  }
0x30: {  	s29 =	sand.u32 $0x800, s23;
	s30 =	sand.u32 $0x300, s24;
	s31 =	sadd.s32 $0x400, s25  }
0x31: {  	p0 =	por $0x1, $0x1;
	s23 =	simm.s32 $0x0;
	s22 =	sor.u32 s30, s29;
	v2 =	vmov s25;
	v3 =	vmov s31  }
.LBB1_5:
0x32: {  	s24 =	sor.u32 s23, s22  }
0x33: {  	s24 =	sshrl.u32 s24, $0x1  }
0x34: {  	v4 =	vld.idx.msk [tilespmem:v0+s24+$0x0 ss:$0x1], $0xffff  }
0x35: {  	v5 =	vld.idx.msk [tilespmem:v1+s24+$0x0 ss:$0x1], $0xffff  }
0x36: {  	v6 =	vld.idx.msk [tilespmem:v0+s24+$0x10 ss:$0x1], $0xffff  }
0x37: {  	v7 =	vld.idx.msk [tilespmem:v1+s24+$0x10 ss:$0x1], $0xffff  }
0x38: {  	v8 =	vld.idx.msk [tilespmem:v0+s24+$0x20 ss:$0x1], $0xffff  }
0x39: {  	v9 =	vld.idx.msk [tilespmem:v1+s24+$0x20 ss:$0x1], $0xffff  }
0x3a: {  	s31 =	sadd.s32 s20, s23;
	v12 =	vld.idx.msk [tilespmem:v0+s24+$0x30 ss:$0x1], $0xffff;
	v10 =	vunpack.i.l.s16.s32 v4;
	v11 =	vunpack.i.l.s16.s32 v5  }
0x3b: {  	s23 =	sshra.s32 s31, $0x1;
	v45 =	vld.idx.msk [tilespmem:v1+s24+$0x30 ss:$0x1], $0xffff;
	v4 =	vunpack.i.u.s16.s32 v4;
	v5 =	vunpack.i.u.s16.s32 v5;
	v10 =	vpack.i.b32.b16 v11, v10  }
0x3c: {  	v13 =	vld.idx.msk [tilespmem:v0+s24+$0x40 ss:$0x1], $0xffff;
	v46 =	vunpack.i.l.s16.s32 v7;
	v4 =	vpack.i.b32.b16 v5, v4;
	v5 =	vunpack.i.l.s16.s32 v6;
	[tilespmem:v2+s23+$0x0 ss:$0x1] =	vst.idx.msk $0xffff, v10  }
0x3d: {  	v48 =	vld.idx.msk [tilespmem:v1+s24+$0x40 ss:$0x1], $0xffff;
	v47 =	vunpack.i.u.s16.s32 v7;
	v5 =	vpack.i.b32.b16 v46, v5;
	[tilespmem:v3+s23+$0x0 ss:$0x1] =	vst.idx.msk $0xffff, v4;
	v4 =	vunpack.i.u.s16.s32 v6  }
0x3e: {  	v50 =	vld.idx.msk [tilespmem:v0+s24+$0x50 ss:$0x1], $0xffff;
	v49 =	vunpack.i.l.s16.s32 v9;
	[tilespmem:v2+s23+$0x10 ss:$0x1] =	vst.idx.msk $0xffff, v5;
	v5 =	vunpack.i.l.s16.s32 v8;
	v4 =	vpack.i.b32.b16 v47, v4  }
0x3f: {  	v52 =	vld.idx.msk [tilespmem:v1+s24+$0x50 ss:$0x1], $0xffff;
	v51 =	vunpack.i.u.s16.s32 v9;
	v5 =	vpack.i.b32.b16 v49, v5;
	[tilespmem:v3+s23+$0x10 ss:$0x1] =	vst.idx.msk $0xffff, v4;
	v4 =	vunpack.i.u.s16.s32 v8  }
0x40: {  	v54 =	vld.idx.msk [tilespmem:v0+s24+$0x60 ss:$0x1], $0xffff;
	v53 =	vunpack.i.l.s16.s32 v45;
	[tilespmem:v2+s23+$0x20 ss:$0x1] =	vst.idx.msk $0xffff, v5;
	v5 =	vunpack.i.l.s16.s32 v12;
	v4 =	vpack.i.b32.b16 v51, v4  }
0x41: {  	v55 =	vld.idx.msk [tilespmem:v1+s24+$0x60 ss:$0x1], $0xffff;
	v11 =	vunpack.i.u.s16.s32 v45;
	v5 =	vpack.i.b32.b16 v53, v5;
	[tilespmem:v3+s23+$0x20 ss:$0x1] =	vst.idx.msk $0xffff, v4;
	v4 =	vunpack.i.u.s16.s32 v12  }
0x42: {  	v57 =	vld.idx.msk [tilespmem:v0+s24+$0x70 ss:$0x1], $0xffff;
	v56 =	vunpack.i.l.s16.s32 v48;
	[tilespmem:v2+s23+$0x30 ss:$0x1] =	vst.idx.msk $0xffff, v5;
	v5 =	vunpack.i.l.s16.s32 v13;
	v4 =	vpack.i.b32.b16 v11, v4  }
0x43: {  	v58 =	vld.idx.msk [tilespmem:v1+s24+$0x70 ss:$0x1], $0xffff;
	v7 =	vunpack.i.u.s16.s32 v48;
	v5 =	vpack.i.b32.b16 v56, v5;
	[tilespmem:v3+s23+$0x30 ss:$0x1] =	vst.idx.msk $0xffff, v4;
	v4 =	vunpack.i.u.s16.s32 v13  }
0x44: {  	v59 =	vunpack.i.l.s16.s32 v52;
	[tilespmem:v2+s23+$0x40 ss:$0x1] =	vst.idx.msk $0xffff, v5;
	v5 =	vunpack.i.l.s16.s32 v50;
	v4 =	vpack.i.b32.b16 v7, v4  }
0x45: {  	v6 =	vunpack.i.u.s16.s32 v52;
	[tilespmem:v3+s23+$0x40 ss:$0x1] =	vst.idx.msk $0xffff, v4;
	v4 =	vpack.i.b32.b16 v59, v5;
	v5 =	vunpack.i.u.s16.s32 v50  }
0x46: {  	p1 =	por p0, p0;
	v60 =	vunpack.i.l.s16.s32 v55;
	[tilespmem:v2+s23+$0x50 ss:$0x1] =	vst.idx.msk $0xffff, v4;
	v4 =	vpack.i.b32.b16 v6, v5;
	v5 =	vunpack.i.l.s16.s32 v54  }
.Ltmp3:
0x47: {  	v61 =	vunpack.i.u.s16.s32 v55;
	[tilespmem:v3+s23+$0x50 ss:$0x1] =	vst.idx.msk $0xffff, v4;
	v4 =	vpack.i.b32.b16 v60, v5;
	v5 =	vunpack.i.u.s16.s32 v54;
	(pc) =	sbr.rel @p1 .LBB1_5-.Ltmp3, $4  }
0x48: {  	v62 =	vunpack.i.l.s16.s32 v58;
	[tilespmem:v2+s23+$0x60 ss:$0x1] =	vst.idx.msk $0xffff, v4;
	v4 =	vpack.i.b32.b16 v61, v5;
	v5 =	vunpack.i.l.s16.s32 v57  }
0x49: {  	v63 =	vunpack.i.u.s16.s32 v58;
	[tilespmem:v3+s23+$0x60 ss:$0x1] =	vst.idx.msk $0xffff, v4;
	v4 =	vunpack.i.u.s16.s32 v57;
	v5 =	vpack.i.b32.b16 v62, v5  }
0x4a: {  	[tilespmem:v2+s23+$0x70 ss:$0x1] =	vst.idx.msk $0xffff, v5;
	v4 =	vpack.i.b32.b16 v63, v4  }
0x4b: {  	p0 =	por $0x0, $0x0;
	[tilespmem:v3+s23+$0x70 ss:$0x1] =	vst.idx.msk $0xffff, v4;
	s23 =	simm.s32 $0x400  }
0x4c: {  	p0 =	slt.u32 s21, $0xE  }
.Ltmp4:
0x4d: {  	_ = 	snop;
	(pc) =	sbr.rel @p0 .LBB1_4-.Ltmp4, $3  }
0x4e: {  	_ =	sdelay $0x1  }
0x4f: {  	s22 =	sadd.s32 $0x2, s21  }
0x50: {  	s21 =	smov.u32 s22  }
0x51: {  	p0 =	slt.u32 s19, $0x6  }
.Ltmp5:
0x52: {  	_ = 	snop;
	(pc) =	sbr.rel @p0 .LBB1_3-.Ltmp5, $3  }
0x53: {  	_ =	sdelay $0x1  }
0x54: {  	s20 =	sadd.s32 $0x2, s19  }
0x55: {  	s19 =	smov.u32 s20  }
.Ltmp6:
0x56: {  	s16 =	sshll.u32 s16, $0x12;
	(pc) =	sbr.rel .LBB1_9-.Ltmp6, $4  }
0x57: {  	s14 =	sshll.u32 s14, $0x7;
	s15 =	sshll.u32 s15, $0x3;
	s16 =	sadd.s32 s4, s16  }
0x58: {  	s15 =	sand.u32 $0x30, s15;
	s14 =	sadd.s32 s14, s16  }
0x59: {  	s14 =	sadd.s32 s15, s14  }
0x5a: {  	[hbm4b:s14+s9] =	stream.linear.scatter [tilespmem:s17], [sflag:$0x2], $0x4000, $0x38;
	[tilespmem:$0x10000] =	vst v63  }
.LBB1_10:
0x5b: {  	_ =	sfence.sel $0x180000  }
0x5c: {  	s2 =	simm.s32 $0x1;
	[bflag:$0x0] =	sbarrier.arrive $0xFFFF  }
0x5d: {  	s31 =	simm.s32 $0x2;
	[sflag:s2] =	ssyncpa.u1 $0x1  }
0x5e: {  	[sflag:s31] =	ssyncpa.u1 $0x1  }
0x5f: {  	p0 =	sne.s32 s0, $0x0;
	_ =	strace $0x90000047  }
0x60: {  	s0 =	sadd.s32 @!p0 $0x100000, s1;
	[bflag:$0x2] =	sbarrier.arrive $0xFFFF  }
0x61: {  	[sflag:s0] =	ssyncadd.tile.s32 @!p0 $0x1;
	_ =	shalt  }
.Lfunc_end1:
_tile_overlayer_lowered:
.L_overlay_start_2:
0x62: {  	(tag) =	ssettag $0x2  }
0x63: {  	s0 =	rddreg [dreg:$0x0];
	s2 =	stileid.u32  }
0x64: {  	s1 =	rddreg [dreg:$0x1];
	p0 =	sne.s32 s2, $0x0  }
0x65: {  	s3 =	rddreg [dreg:$0x2];
	[bflag:$0x3] =	sbarrier.arrive $0xFFFF;
	s2 =	simm.s32 @!p0 $0x1C01  }
0x66: {  	[timem:s3], [sflag:s2] =	dma.local @!p0 [hbm:s0], s1  }
0x67: {  	s0 =	simm.s32 @!p0 $0x1  }
0x68: {  	_ =	swait.ge @!p0 [sflag:s0], s1  }
0x69: {  	s1 =	ssub.s32 @!p0 $0x0, s1;
	[sflag:s0] =	ssyncset.done @!p0 $0x0  }
0x6a: {  	[sflag:s0] =	ssyncadd.s32 @!p0 s1  }
0x6b: {  	[bflag:$0x3] =	sbarrier.arrive $0xFFFF  }
0x6c: {  	_ =	shalt  }

</sc_bundles>
